<compile_context>
chip_gen: v7x
topology: tpu7x:2x2x1
jax: 0.10.2.dev20260603
libtpu: 0.0.44.dev20260713+nightly
codegen_flags: <defaults>
</compile_context>

<pallas_src>
import functools
import math

import jax
import jax.numpy as jnp
import numpy as np
from jax import lax
from jax.experimental import pallas as pl
from jax.experimental.pallas import tpu as pltpu
from jax.experimental.pallas import tpu_sc as plsc

VOCAB = 50267
EMBED_DIM = 128
SEQ_LEN = 2048


def _positional_encoding_np(seq_len: int, d: int) -> np.ndarray:
    position = np.arange(seq_len, dtype=np.float32)[:, None]
    div_term = np.exp(
        np.arange(0, d, 2, dtype=np.float32) * (-math.log(10000.0) / d)
    ).astype(np.float32)
    pe = np.zeros((seq_len, d), dtype=np.float32)
    pe[:, 0::2] = np.sin(position * div_term)
    pe[:, 1::2] = np.cos(position * div_term)
    return pe


_PE = _positional_encoding_np(SEQ_LEN, EMBED_DIM)

_CHUNKS = (16, 32, 80)
_NCHUNK = len(_CHUNKS)


@functools.lru_cache(maxsize=None)
def _build_sc_kernel():
    info = plsc.get_sparse_core_info()
    NC, NS, L = 1, info.num_subcores, info.num_lanes
    NW = NC * NS
    BPW = SEQ_LEN // NW

    mesh = plsc.VectorSubcoreMesh(
        core_axis_name="c", subcore_axis_name="s", num_cores=NC)

    @functools.partial(
        pl.kernel,
        mesh=mesh,
        out_type=jax.ShapeDtypeStruct((1, SEQ_LEN, EMBED_DIM), jnp.float32),
        scratch_types=[
            pltpu.VMEM((BPW,), jnp.int32),
            pltpu.VMEM((BPW, EMBED_DIM), jnp.float32),
            pltpu.SemaphoreType.DMA,
        ]
        + [pltpu.SemaphoreType.DMA] * (3 * _NCHUNK),
    )
    def emb_kernel(idx_hbm, table_hbm, pe_hbm, out_hbm, idx_v, rows_v,
                   sem_i, *sems):
        sem_p = sems[:_NCHUNK]
        sem_g = sems[_NCHUNK:2 * _NCHUNK]
        sem_o = sems[2 * _NCHUNK:]
        wid = lax.axis_index("s") * NC + lax.axis_index("c")
        base = wid * BPW
        offs = [sum(_CHUNKS[:c]) for c in range(_NCHUNK)]
        ci = pltpu.async_copy(idx_hbm.at[pl.ds(base, BPW)], idx_v, sem_i)
        cps = [
            pltpu.async_copy(pe_hbm.at[pl.ds(base + offs[c], _CHUNKS[c])],
                             rows_v.at[pl.ds(offs[c], _CHUNKS[c])], sem_p[c])
            for c in range(_NCHUNK)
        ]
        ci.wait()
        gs = []
        for c in range(_NCHUNK):
            cps[c].wait()
            gs.append(pltpu.async_copy(
                table_hbm.at[idx_v.at[pl.ds(offs[c], _CHUNKS[c])]],
                rows_v.at[pl.ds(offs[c], _CHUNKS[c])], sem_g[c], add=True))
        os_ = []
        for c in range(_NCHUNK):
            gs[c].wait()
            os_.append(pltpu.async_copy(
                rows_v.at[pl.ds(offs[c], _CHUNKS[c])],
                out_hbm.at[0, pl.ds(base + offs[c], _CHUNKS[c])], sem_o[c]))
        for c in range(_NCHUNK):
            os_[c].wait()

    return emb_kernel


def kernel(token_id, table):
    emb = _build_sc_kernel()
    pe = jnp.asarray(_PE)
    return emb(token_id.astype(jnp.int32), table, pe)

# --- scband reference (transcript-rebuilt; emitter-appended) ---
"""Pipeline reference for scband-input-embedding-4629974745842 (READ-ONLY COPY).

The authoritative reference and input builder live on the scoring server;
editing this copy changes nothing except your own understanding.
"""

import jax, jax.numpy as jnp
import numpy as np
import math

VOCAB = 50267
EMBED_DIM = 128
SEQ_LEN = 2048


def _positional_encoding(seq_len, d):
    position = jnp.arange(seq_len, dtype=jnp.float32)[:, None]
    div_term = jnp.exp(jnp.arange(0, d, 2, dtype=jnp.float32) * (-math.log(10000.0) / d))
    pe = jnp.zeros((seq_len, d), dtype=jnp.float32)
    pe = pe.at[:, 0::2].set(jnp.sin(position * div_term))
    pe = pe.at[:, 1::2].set(jnp.cos(position * div_term))
    return pe[None, :, :]


def setup_inputs(seed: int = 0) -> dict:
    key = jax.random.key(seed)
    k_idx, k_tab = jax.random.split(key)
    token_id = jax.random.randint(k_idx, (SEQ_LEN,), 0, VOCAB, dtype=jnp.int64 if jax.config.jax_enable_x64 else jnp.int32)
    table = jax.random.normal(k_tab, (VOCAB, EMBED_DIM), dtype=jnp.float32)
    return {"token_id": token_id, "table": table}


def reference(token_id, table):
    seq_len = token_id.shape[0]
    d = table.shape[1]
    # embedding lookup (SparseCore gather)
    embedding_vect = jnp.take(table, token_id, axis=0)[None, :, :]
    pe = _positional_encoding(seq_len, d)
    x = embedding_vect + pe[:, :embedding_vect.shape[1], :]
    # dropout is identity in eval mode
    return x

if __name__ == "__main__":
    import jax
    _d = setup_inputs()
    print(jax.jit(kernel)(*tuple(_d.values())))

</pallas_src>

<mosaic_0001>
#map = affine_map<(d0, d1) -> (0)>
#map1 = affine_map<(d0, d1) -> (0, 0)>
#map2 = affine_map<(d0, d1) -> (0, 0, 0)>
module attributes {stable_mosaic.version = 14 : i64} {
  func.func @emb_kernel(%arg0: i32, %arg1: i32, %arg2: memref<2048xi32, #tpu.memory_space<hbm>>, %arg3: memref<50267x128xf32, #tpu.memory_space<hbm>>, %arg4: memref<2048x128xf32, #tpu.memory_space<hbm>>, %arg5: memref<1x2048x128xf32, #tpu.memory_space<hbm>>, %arg6: memref<128xi32, #tpu.memory_space<vmem>>, %arg7: memref<128x128xf32, #tpu.memory_space<vmem>>, %arg8: memref<!tpu.dma_semaphore, #tpu.memory_space<semaphore_mem>>, %arg9: memref<!tpu.dma_semaphore, #tpu.memory_space<semaphore_mem>>, %arg10: memref<!tpu.dma_semaphore, #tpu.memory_space<semaphore_mem>>, %arg11: memref<!tpu.dma_semaphore, #tpu.memory_space<semaphore_mem>>, %arg12: memref<!tpu.dma_semaphore, #tpu.memory_space<semaphore_mem>>, %arg13: memref<!tpu.dma_semaphore, #tpu.memory_space<semaphore_mem>>, %arg14: memref<!tpu.dma_semaphore, #tpu.memory_space<semaphore_mem>>, %arg15: memref<!tpu.dma_semaphore, #tpu.memory_space<semaphore_mem>>, %arg16: memref<!tpu.dma_semaphore, #tpu.memory_space<semaphore_mem>>, %arg17: memref<!tpu.dma_semaphore, #tpu.memory_space<semaphore_mem>>) attributes {dimension_semantics = [#tpu.dimension_semantics<core_parallel>, #tpu.dimension_semantics<subcore_parallel>], iteration_bounds = array<i64: 1, 16>, scalar_prefetch = 0 : i64, scratch_operands = 12 : i64, tpu.core_type = #tpu.core_type<sc_vector_subcore>, window_params = [{transform_indices = #map}, {transform_indices = #map1}, {transform_indices = #map1}, {transform_indices = #map2}]} {
    %mul3A = arith.constant 1 : i32
    %mul3A_0 = arith.muli %arg1, %mul3A : i32
    %add3A = arith.addi %mul3A_0, %arg0 : i32
    %mul3A_1 = arith.constant 128 : i32
    %mul3A_2 = arith.muli %add3A, %mul3A_1 : i32
    %dma_start3A = tpu.memref_slice %arg2[%mul3A_2] : memref<2048xi32, #tpu.memory_space<hbm>> -> memref<128xi32, #tpu.memory_space<hbm>>
    %dma_start3A_3 = tpu.memref_slice %arg2[%mul3A_2] : memref<2048xi32, #tpu.memory_space<hbm>> -> memref<128xi32, #tpu.memory_space<hbm>>
    tpu.enqueue_dma source(%dma_start3A_3 : memref<128xi32, #tpu.memory_space<hbm>>) target(%arg6 : memref<128xi32, #tpu.memory_space<vmem>>) target_semaphore(%arg8 : memref<!tpu.dma_semaphore, #tpu.memory_space<semaphore_mem>>)
    %add3A_4 = arith.constant 0 : i32
    %add3A_5 = arith.addi %mul3A_2, %add3A_4 : i32
    %dma_start3A_6 = arith.constant 0 : i32
    %dma_start3A_7 = arith.constant 0 : i32
    %dma_start3A_8 = tpu.memref_slice %arg7[%dma_start3A_6, %dma_start3A_7] : memref<128x128xf32, #tpu.memory_space<vmem>> -> memref<16x128xf32, #tpu.memory_space<vmem>>
    %dma_start3A_9 = arith.constant 0 : i32
    %dma_start3A_10 = tpu.memref_slice %arg4[%add3A_5, %dma_start3A_9] : memref<2048x128xf32, #tpu.memory_space<hbm>> -> memref<16x128xf32, #tpu.memory_space<hbm>>
    %dma_start3A_11 = arith.constant 0 : i32
    %dma_start3A_12 = arith.constant 0 : i32
    %dma_start3A_13 = tpu.memref_slice %arg7[%dma_start3A_11, %dma_start3A_12] : memref<128x128xf32, #tpu.memory_space<vmem>> -> memref<16x128xf32, #tpu.memory_space<vmem>>
    %dma_start3A_14 = arith.constant 0 : i32
    %dma_start3A_15 = tpu.memref_slice %arg4[%add3A_5, %dma_start3A_14] : memref<2048x128xf32, #tpu.memory_space<hbm>> -> memref<16x128xf32, #tpu.memory_space<hbm>>
    tpu.enqueue_dma source(%dma_start3A_15 : memref<16x128xf32, #tpu.memory_space<hbm>>) target(%dma_start3A_13 : memref<16x128xf32, #tpu.memory_space<vmem>>) target_semaphore(%arg9 : memref<!tpu.dma_semaphore, #tpu.memory_space<semaphore_mem>>)
    %add3A_16 = arith.constant 16 : i32
    %add3A_17 = arith.addi %mul3A_2, %add3A_16 : i32
    %dma_start3A_18 = arith.constant 16 : i32
    %dma_start3A_19 = arith.constant 0 : i32
    %dma_start3A_20 = tpu.memref_slice %arg7[%dma_start3A_18, %dma_start3A_19] : memref<128x128xf32, #tpu.memory_space<vmem>> -> memref<32x128xf32, #tpu.memory_space<vmem>>
    %dma_start3A_21 = arith.constant 0 : i32
    %dma_start3A_22 = tpu.memref_slice %arg4[%add3A_17, %dma_start3A_21] : memref<2048x128xf32, #tpu.memory_space<hbm>> -> memref<32x128xf32, #tpu.memory_space<hbm>>
    %dma_start3A_23 = arith.constant 16 : i32
    %dma_start3A_24 = arith.constant 0 : i32
    %dma_start3A_25 = tpu.memref_slice %arg7[%dma_start3A_23, %dma_start3A_24] : memref<128x128xf32, #tpu.memory_space<vmem>> -> memref<32x128xf32, #tpu.memory_space<vmem>>
    %dma_start3A_26 = arith.constant 0 : i32
    %dma_start3A_27 = tpu.memref_slice %arg4[%add3A_17, %dma_start3A_26] : memref<2048x128xf32, #tpu.memory_space<hbm>> -> memref<32x128xf32, #tpu.memory_space<hbm>>
    tpu.enqueue_dma source(%dma_start3A_27 : memref<32x128xf32, #tpu.memory_space<hbm>>) target(%dma_start3A_25 : memref<32x128xf32, #tpu.memory_space<vmem>>) target_semaphore(%arg10 : memref<!tpu.dma_semaphore, #tpu.memory_space<semaphore_mem>>)
    %add3A_28 = arith.constant 48 : i32
    %add3A_29 = arith.addi %mul3A_2, %add3A_28 : i32
    %dma_start3A_30 = arith.constant 48 : i32
    %dma_start3A_31 = arith.constant 0 : i32
    %dma_start3A_32 = tpu.memref_slice %arg7[%dma_start3A_30, %dma_start3A_31] : memref<128x128xf32, #tpu.memory_space<vmem>> -> memref<80x128xf32, #tpu.memory_space<vmem>>
    %dma_start3A_33 = arith.constant 0 : i32
    %dma_start3A_34 = tpu.memref_slice %arg4[%add3A_29, %dma_start3A_33] : memref<2048x128xf32, #tpu.memory_space<hbm>> -> memref<80x128xf32, #tpu.memory_space<hbm>>
    %dma_start3A_35 = arith.constant 48 : i32
    %dma_start3A_36 = arith.constant 0 : i32
    %dma_start3A_37 = tpu.memref_slice %arg7[%dma_start3A_35, %dma_start3A_36] : memref<128x128xf32, #tpu.memory_space<vmem>> -> memref<80x128xf32, #tpu.memory_space<vmem>>
    %dma_start3A_38 = arith.constant 0 : i32
    %dma_start3A_39 = tpu.memref_slice %arg4[%add3A_29, %dma_start3A_38] : memref<2048x128xf32, #tpu.memory_space<hbm>> -> memref<80x128xf32, #tpu.memory_space<hbm>>
    tpu.enqueue_dma source(%dma_start3A_39 : memref<80x128xf32, #tpu.memory_space<hbm>>) target(%dma_start3A_37 : memref<80x128xf32, #tpu.memory_space<vmem>>) target_semaphore(%arg11 : memref<!tpu.dma_semaphore, #tpu.memory_space<semaphore_mem>>)
    %dma_wait3A = tpu.memref_slice %arg2[%mul3A_2] : memref<2048xi32, #tpu.memory_space<hbm>> -> memref<128xi32, #tpu.memory_space<hbm>>
    %dma_wait3A_40 = tpu.memref_slice %arg2[%mul3A_2] : memref<2048xi32, #tpu.memory_space<hbm>> -> memref<128xi32, #tpu.memory_space<hbm>>
    tpu.wait_dma2 semaphore(%arg8 : memref<!tpu.dma_semaphore, #tpu.memory_space<semaphore_mem>>) src(%dma_wait3A_40 : memref<128xi32, #tpu.memory_space<hbm>>) dst(%arg6 : memref<128xi32, #tpu.memory_space<vmem>>)
    %dma_wait3A_41 = arith.constant 0 : i32
    %dma_wait3A_42 = arith.constant 0 : i32
    %dma_wait3A_43 = tpu.memref_slice %arg7[%dma_wait3A_41, %dma_wait3A_42] : memref<128x128xf32, #tpu.memory_space<vmem>> -> memref<16x128xf32, #tpu.memory_space<vmem>>
    %dma_wait3A_44 = arith.constant 0 : i32
    %dma_wait3A_45 = tpu.memref_slice %arg4[%add3A_5, %dma_wait3A_44] : memref<2048x128xf32, #tpu.memory_space<hbm>> -> memref<16x128xf32, #tpu.memory_space<hbm>>
    %dma_wait3A_46 = arith.constant 0 : i32
    %dma_wait3A_47 = arith.constant 0 : i32
    %dma_wait3A_48 = tpu.memref_slice %arg7[%dma_wait3A_46, %dma_wait3A_47] : memref<128x128xf32, #tpu.memory_space<vmem>> -> memref<16x128xf32, #tpu.memory_space<vmem>>
    %dma_wait3A_49 = arith.constant 0 : i32
    %dma_wait3A_50 = tpu.memref_slice %arg4[%add3A_5, %dma_wait3A_49] : memref<2048x128xf32, #tpu.memory_space<hbm>> -> memref<16x128xf32, #tpu.memory_space<hbm>>
    tpu.wait_dma2 semaphore(%arg9 : memref<!tpu.dma_semaphore, #tpu.memory_space<semaphore_mem>>) src(%dma_wait3A_50 : memref<16x128xf32, #tpu.memory_space<hbm>>) dst(%dma_wait3A_48 : memref<16x128xf32, #tpu.memory_space<vmem>>)
    %dma_start3A_51 = arith.constant 0 : i32
    %dma_start3A_52 = arith.constant 0 : i32
    %dma_start3A_53 = tpu.memref_slice %arg7[%dma_start3A_51, %dma_start3A_52] : memref<128x128xf32, #tpu.memory_space<vmem>> -> memref<16x128xf32, #tpu.memory_space<vmem>>
    %dma_start3A_54 = arith.constant 0 : i32
    %dma_start3A_55 = tpu.memref_slice %arg6[%dma_start3A_54] : memref<128xi32, #tpu.memory_space<vmem>> -> memref<16xi32, #tpu.memory_space<vmem>>
    %dma_start3A_56 = arith.constant 0 : i32
    %dma_start3A_57 = arith.constant 0 : i32
    %dma_start3A_58 = tpu.memref_slice %arg3[%dma_start3A_56, %dma_start3A_57] : memref<50267x128xf32, #tpu.memory_space<hbm>> -> memref<50267x128xf32, #tpu.memory_space<hbm>>
    tpu.enqueue_indirect_dma source(%dma_start3A_58 : memref<50267x128xf32, #tpu.memory_space<hbm>>) target(%dma_start3A_53 : memref<16x128xf32, #tpu.memory_space<vmem>>) offsets(%dma_start3A_55 : memref<16xi32, #tpu.memory_space<vmem>>) semaphore(%arg12 : memref<!tpu.dma_semaphore, #tpu.memory_space<semaphore_mem>>) {add = true}
    %dma_wait3A_59 = arith.constant 16 : i32
    %dma_wait3A_60 = arith.constant 0 : i32
    %dma_wait3A_61 = tpu.memref_slice %arg7[%dma_wait3A_59, %dma_wait3A_60] : memref<128x128xf32, #tpu.memory_space<vmem>> -> memref<32x128xf32, #tpu.memory_space<vmem>>
    %dma_wait3A_62 = arith.constant 0 : i32
    %dma_wait3A_63 = tpu.memref_slice %arg4[%add3A_17, %dma_wait3A_62] : memref<2048x128xf32, #tpu.memory_space<hbm>> -> memref<32x128xf32, #tpu.memory_space<hbm>>
    %dma_wait3A_64 = arith.constant 16 : i32
    %dma_wait3A_65 = arith.constant 0 : i32
    %dma_wait3A_66 = tpu.memref_slice %arg7[%dma_wait3A_64, %dma_wait3A_65] : memref<128x128xf32, #tpu.memory_space<vmem>> -> memref<32x128xf32, #tpu.memory_space<vmem>>
    %dma_wait3A_67 = arith.constant 0 : i32
    %dma_wait3A_68 = tpu.memref_slice %arg4[%add3A_17, %dma_wait3A_67] : memref<2048x128xf32, #tpu.memory_space<hbm>> -> memref<32x128xf32, #tpu.memory_space<hbm>>
    tpu.wait_dma2 semaphore(%arg10 : memref<!tpu.dma_semaphore, #tpu.memory_space<semaphore_mem>>) src(%dma_wait3A_68 : memref<32x128xf32, #tpu.memory_space<hbm>>) dst(%dma_wait3A_66 : memref<32x128xf32, #tpu.memory_space<vmem>>)
    %dma_start3A_69 = arith.constant 16 : i32
    %dma_start3A_70 = arith.constant 0 : i32
    %dma_start3A_71 = tpu.memref_slice %arg7[%dma_start3A_69, %dma_start3A_70] : memref<128x128xf32, #tpu.memory_space<vmem>> -> memref<32x128xf32, #tpu.memory_space<vmem>>
    %dma_start3A_72 = arith.constant 16 : i32
    %dma_start3A_73 = tpu.memref_slice %arg6[%dma_start3A_72] : memref<128xi32, #tpu.memory_space<vmem>> -> memref<32xi32, #tpu.memory_space<vmem>>
    %dma_start3A_74 = arith.constant 0 : i32
    %dma_start3A_75 = arith.constant 0 : i32
    %dma_start3A_76 = tpu.memref_slice %arg3[%dma_start3A_74, %dma_start3A_75] : memref<50267x128xf32, #tpu.memory_space<hbm>> -> memref<50267x128xf32, #tpu.memory_space<hbm>>
    tpu.enqueue_indirect_dma source(%dma_start3A_76 : memref<50267x128xf32, #tpu.memory_space<hbm>>) target(%dma_start3A_71 : memref<32x128xf32, #tpu.memory_space<vmem>>) offsets(%dma_start3A_73 : memref<32xi32, #tpu.memory_space<vmem>>) semaphore(%arg13 : memref<!tpu.dma_semaphore, #tpu.memory_space<semaphore_mem>>) {add = true}
    %dma_wait3A_77 = arith.constant 48 : i32
    %dma_wait3A_78 = arith.constant 0 : i32
    %dma_wait3A_79 = tpu.memref_slice %arg7[%dma_wait3A_77, %dma_wait3A_78] : memref<128x128xf32, #tpu.memory_space<vmem>> -> memref<80x128xf32, #tpu.memory_space<vmem>>
    %dma_wait3A_80 = arith.constant 0 : i32
    %dma_wait3A_81 = tpu.memref_slice %arg4[%add3A_29, %dma_wait3A_80] : memref<2048x128xf32, #tpu.memory_space<hbm>> -> memref<80x128xf32, #tpu.memory_space<hbm>>
    %dma_wait3A_82 = arith.constant 48 : i32
    %dma_wait3A_83 = arith.constant 0 : i32
    %dma_wait3A_84 = tpu.memref_slice %arg7[%dma_wait3A_82, %dma_wait3A_83] : memref<128x128xf32, #tpu.memory_space<vmem>> -> memref<80x128xf32, #tpu.memory_space<vmem>>
    %dma_wait3A_85 = arith.constant 0 : i32
    %dma_wait3A_86 = tpu.memref_slice %arg4[%add3A_29, %dma_wait3A_85] : memref<2048x128xf32, #tpu.memory_space<hbm>> -> memref<80x128xf32, #tpu.memory_space<hbm>>
    tpu.wait_dma2 semaphore(%arg11 : memref<!tpu.dma_semaphore, #tpu.memory_space<semaphore_mem>>) src(%dma_wait3A_86 : memref<80x128xf32, #tpu.memory_space<hbm>>) dst(%dma_wait3A_84 : memref<80x128xf32, #tpu.memory_space<vmem>>)
    %dma_start3A_87 = arith.constant 48 : i32
    %dma_start3A_88 = arith.constant 0 : i32
    %dma_start3A_89 = tpu.memref_slice %arg7[%dma_start3A_87, %dma_start3A_88] : memref<128x128xf32, #tpu.memory_space<vmem>> -> memref<80x128xf32, #tpu.memory_space<vmem>>
    %dma_start3A_90 = arith.constant 48 : i32
    %dma_start3A_91 = tpu.memref_slice %arg6[%dma_start3A_90] : memref<128xi32, #tpu.memory_space<vmem>> -> memref<80xi32, #tpu.memory_space<vmem>>
    %dma_start3A_92 = arith.constant 0 : i32
    %dma_start3A_93 = arith.constant 0 : i32
    %dma_start3A_94 = tpu.memref_slice %arg3[%dma_start3A_92, %dma_start3A_93] : memref<50267x128xf32, #tpu.memory_space<hbm>> -> memref<50267x128xf32, #tpu.memory_space<hbm>>
    tpu.enqueue_indirect_dma source(%dma_start3A_94 : memref<50267x128xf32, #tpu.memory_space<hbm>>) target(%dma_start3A_89 : memref<80x128xf32, #tpu.memory_space<vmem>>) offsets(%dma_start3A_91 : memref<80xi32, #tpu.memory_space<vmem>>) semaphore(%arg14 : memref<!tpu.dma_semaphore, #tpu.memory_space<semaphore_mem>>) {add = true}
    %dma_wait3A_95 = arith.constant 0 : i32
    %dma_wait3A_96 = arith.constant 0 : i32
    %dma_wait3A_97 = tpu.memref_slice %arg7[%dma_wait3A_95, %dma_wait3A_96] : memref<128x128xf32, #tpu.memory_space<vmem>> -> memref<16x128xf32, #tpu.memory_space<vmem>>
    %dma_wait3A_98 = arith.constant 0 : i32
    %dma_wait3A_99 = tpu.memref_slice %arg6[%dma_wait3A_98] : memref<128xi32, #tpu.memory_space<vmem>> -> memref<16xi32, #tpu.memory_space<vmem>>
    %dma_wait3A_100 = arith.constant 0 : i32
    %dma_wait3A_101 = arith.constant 0 : i32
    %dma_wait3A_102 = tpu.memref_slice %arg3[%dma_wait3A_100, %dma_wait3A_101] : memref<50267x128xf32, #tpu.memory_space<hbm>> -> memref<50267x128xf32, #tpu.memory_space<hbm>>
    tpu.wait_indirect_dma semaphore(%arg12 : memref<!tpu.dma_semaphore, #tpu.memory_space<semaphore_mem>>) src(%dma_wait3A_102 : memref<50267x128xf32, #tpu.memory_space<hbm>>) dst(%dma_wait3A_97 : memref<16x128xf32, #tpu.memory_space<vmem>>)
    %add3A_103 = arith.constant 0 : i32
    %add3A_104 = arith.addi %mul3A_2, %add3A_103 : i32
    %dma_start3A_105 = arith.constant 0 : i32
    %dma_start3A_106 = arith.constant 0 : i32
    %dma_start3A_107 = arith.constant 0 : i32
    %dma_start3A_108 = tpu.memref_slice %arg7[%dma_start3A_106, %dma_start3A_107] : memref<128x128xf32, #tpu.memory_space<vmem>> -> memref<16x128xf32, #tpu.memory_space<vmem>>
    %dma_start3A_109 = arith.constant 0 : i32
    %dma_start3A_110 = tpu.memref_slice %arg5[%dma_start3A_105, %add3A_104, %dma_start3A_109] : memref<1x2048x128xf32, #tpu.memory_space<hbm>> -> memref<1x16x128xf32, #tpu.memory_space<hbm>>
    %dma_start3A_111 = tpu.memref_squeeze %dma_start3A_110 : memref<1x16x128xf32, #tpu.memory_space<hbm>> -> memref<16x128xf32, #tpu.memory_space<hbm>>
    %dma_start3A_112 = arith.constant 0 : i32
    %dma_start3A_113 = tpu.memref_slice %arg5[%dma_start3A_105, %add3A_104, %dma_start3A_112] : memref<1x2048x128xf32, #tpu.memory_space<hbm>> -> memref<1x16x128xf32, #tpu.memory_space<hbm>>
    %dma_start3A_114 = tpu.memref_squeeze %dma_start3A_113 : memref<1x16x128xf32, #tpu.memory_space<hbm>> -> memref<16x128xf32, #tpu.memory_space<hbm>>
    %dma_start3A_115 = arith.constant 0 : i32
    %dma_start3A_116 = arith.constant 0 : i32
    %dma_start3A_117 = tpu.memref_slice %arg7[%dma_start3A_115, %dma_start3A_116] : memref<128x128xf32, #tpu.memory_space<vmem>> -> memref<16x128xf32, #tpu.memory_space<vmem>>
    tpu.enqueue_dma source(%dma_start3A_117 : memref<16x128xf32, #tpu.memory_space<vmem>>) target(%dma_start3A_114 : memref<16x128xf32, #tpu.memory_space<hbm>>) target_semaphore(%arg15 : memref<!tpu.dma_semaphore, #tpu.memory_space<semaphore_mem>>)
    %dma_wait3A_118 = arith.constant 16 : i32
    %dma_wait3A_119 = arith.constant 0 : i32
    %dma_wait3A_120 = tpu.memref_slice %arg7[%dma_wait3A_118, %dma_wait3A_119] : memref<128x128xf32, #tpu.memory_space<vmem>> -> memref<32x128xf32, #tpu.memory_space<vmem>>
    %dma_wait3A_121 = arith.constant 16 : i32
    %dma_wait3A_122 = tpu.memref_slice %arg6[%dma_wait3A_121] : memref<128xi32, #tpu.memory_space<vmem>> -> memref<32xi32, #tpu.memory_space<vmem>>
    %dma_wait3A_123 = arith.constant 0 : i32
    %dma_wait3A_124 = arith.constant 0 : i32
    %dma_wait3A_125 = tpu.memref_slice %arg3[%dma_wait3A_123, %dma_wait3A_124] : memref<50267x128xf32, #tpu.memory_space<hbm>> -> memref<50267x128xf32, #tpu.memory_space<hbm>>
    tpu.wait_indirect_dma semaphore(%arg13 : memref<!tpu.dma_semaphore, #tpu.memory_space<semaphore_mem>>) src(%dma_wait3A_125 : memref<50267x128xf32, #tpu.memory_space<hbm>>) dst(%dma_wait3A_120 : memref<32x128xf32, #tpu.memory_space<vmem>>)
    %add3A_126 = arith.constant 16 : i32
    %add3A_127 = arith.addi %mul3A_2, %add3A_126 : i32
    %dma_start3A_128 = arith.constant 0 : i32
    %dma_start3A_129 = arith.constant 16 : i32
    %dma_start3A_130 = arith.constant 0 : i32
    %dma_start3A_131 = tpu.memref_slice %arg7[%dma_start3A_129, %dma_start3A_130] : memref<128x128xf32, #tpu.memory_space<vmem>> -> memref<32x128xf32, #tpu.memory_space<vmem>>
    %dma_start3A_132 = arith.constant 0 : i32
    %dma_start3A_133 = tpu.memref_slice %arg5[%dma_start3A_128, %add3A_127, %dma_start3A_132] : memref<1x2048x128xf32, #tpu.memory_space<hbm>> -> memref<1x32x128xf32, #tpu.memory_space<hbm>>
    %dma_start3A_134 = tpu.memref_squeeze %dma_start3A_133 : memref<1x32x128xf32, #tpu.memory_space<hbm>> -> memref<32x128xf32, #tpu.memory_space<hbm>>
    %dma_start3A_135 = arith.constant 0 : i32
    %dma_start3A_136 = tpu.memref_slice %arg5[%dma_start3A_128, %add3A_127, %dma_start3A_135] : memref<1x2048x128xf32, #tpu.memory_space<hbm>> -> memref<1x32x128xf32, #tpu.memory_space<hbm>>
    %dma_start3A_137 = tpu.memref_squeeze %dma_start3A_136 : memref<1x32x128xf32, #tpu.memory_space<hbm>> -> memref<32x128xf32, #tpu.memory_space<hbm>>
    %dma_start3A_138 = arith.constant 16 : i32
    %dma_start3A_139 = arith.constant 0 : i32
    %dma_start3A_140 = tpu.memref_slice %arg7[%dma_start3A_138, %dma_start3A_139] : memref<128x128xf32, #tpu.memory_space<vmem>> -> memref<32x128xf32, #tpu.memory_space<vmem>>
    tpu.enqueue_dma source(%dma_start3A_140 : memref<32x128xf32, #tpu.memory_space<vmem>>) target(%dma_start3A_137 : memref<32x128xf32, #tpu.memory_space<hbm>>) target_semaphore(%arg16 : memref<!tpu.dma_semaphore, #tpu.memory_space<semaphore_mem>>)
    %dma_wait3A_141 = arith.constant 48 : i32
    %dma_wait3A_142 = arith.constant 0 : i32
    %dma_wait3A_143 = tpu.memref_slice %arg7[%dma_wait3A_141, %dma_wait3A_142] : memref<128x128xf32, #tpu.memory_space<vmem>> -> memref<80x128xf32, #tpu.memory_space<vmem>>
    %dma_wait3A_144 = arith.constant 48 : i32
    %dma_wait3A_145 = tpu.memref_slice %arg6[%dma_wait3A_144] : memref<128xi32, #tpu.memory_space<vmem>> -> memref<80xi32, #tpu.memory_space<vmem>>
    %dma_wait3A_146 = arith.constant 0 : i32
    %dma_wait3A_147 = arith.constant 0 : i32
    %dma_wait3A_148 = tpu.memref_slice %arg3[%dma_wait3A_146, %dma_wait3A_147] : memref<50267x128xf32, #tpu.memory_space<hbm>> -> memref<50267x128xf32, #tpu.memory_space<hbm>>
    tpu.wait_indirect_dma semaphore(%arg14 : memref<!tpu.dma_semaphore, #tpu.memory_space<semaphore_mem>>) src(%dma_wait3A_148 : memref<50267x128xf32, #tpu.memory_space<hbm>>) dst(%dma_wait3A_143 : memref<80x128xf32, #tpu.memory_space<vmem>>)
    %add3A_149 = arith.constant 48 : i32
    %add3A_150 = arith.addi %mul3A_2, %add3A_149 : i32
    %dma_start3A_151 = arith.constant 0 : i32
    %dma_start3A_152 = arith.constant 48 : i32
    %dma_start3A_153 = arith.constant 0 : i32
    %dma_start3A_154 = tpu.memref_slice %arg7[%dma_start3A_152, %dma_start3A_153] : memref<128x128xf32, #tpu.memory_space<vmem>> -> memref<80x128xf32, #tpu.memory_space<vmem>>
    %dma_start3A_155 = arith.constant 0 : i32
    %dma_start3A_156 = tpu.memref_slice %arg5[%dma_start3A_151, %add3A_150, %dma_start3A_155] : memref<1x2048x128xf32, #tpu.memory_space<hbm>> -> memref<1x80x128xf32, #tpu.memory_space<hbm>>
    %dma_start3A_157 = tpu.memref_squeeze %dma_start3A_156 : memref<1x80x128xf32, #tpu.memory_space<hbm>> -> memref<80x128xf32, #tpu.memory_space<hbm>>
    %dma_start3A_158 = arith.constant 0 : i32
    %dma_start3A_159 = tpu.memref_slice %arg5[%dma_start3A_151, %add3A_150, %dma_start3A_158] : memref<1x2048x128xf32, #tpu.memory_space<hbm>> -> memref<1x80x128xf32, #tpu.memory_space<hbm>>
    %dma_start3A_160 = tpu.memref_squeeze %dma_start3A_159 : memref<1x80x128xf32, #tpu.memory_space<hbm>> -> memref<80x128xf32, #tpu.memory_space<hbm>>
    %dma_start3A_161 = arith.constant 48 : i32
    %dma_start3A_162 = arith.constant 0 : i32
    %dma_start3A_163 = tpu.memref_slice %arg7[%dma_start3A_161, %dma_start3A_162] : memref<128x128xf32, #tpu.memory_space<vmem>> -> memref<80x128xf32, #tpu.memory_space<vmem>>
    tpu.enqueue_dma source(%dma_start3A_163 : memref<80x128xf32, #tpu.memory_space<vmem>>) target(%dma_start3A_160 : memref<80x128xf32, #tpu.memory_space<hbm>>) target_semaphore(%arg17 : memref<!tpu.dma_semaphore, #tpu.memory_space<semaphore_mem>>)
    %dma_wait3A_164 = arith.constant 0 : i32
    %dma_wait3A_165 = arith.constant 0 : i32
    %dma_wait3A_166 = arith.constant 0 : i32
    %dma_wait3A_167 = tpu.memref_slice %arg7[%dma_wait3A_165, %dma_wait3A_166] : memref<128x128xf32, #tpu.memory_space<vmem>> -> memref<16x128xf32, #tpu.memory_space<vmem>>
    %dma_wait3A_168 = arith.constant 0 : i32
    %dma_wait3A_169 = tpu.memref_slice %arg5[%dma_wait3A_164, %add3A_104, %dma_wait3A_168] : memref<1x2048x128xf32, #tpu.memory_space<hbm>> -> memref<1x16x128xf32, #tpu.memory_space<hbm>>
    %dma_wait3A_170 = tpu.memref_squeeze %dma_wait3A_169 : memref<1x16x128xf32, #tpu.memory_space<hbm>> -> memref<16x128xf32, #tpu.memory_space<hbm>>
    %dma_wait3A_171 = arith.constant 0 : i32
    %dma_wait3A_172 = tpu.memref_slice %arg5[%dma_wait3A_164, %add3A_104, %dma_wait3A_171] : memref<1x2048x128xf32, #tpu.memory_space<hbm>> -> memref<1x16x128xf32, #tpu.memory_space<hbm>>
    %dma_wait3A_173 = tpu.memref_squeeze %dma_wait3A_172 : memref<1x16x128xf32, #tpu.memory_space<hbm>> -> memref<16x128xf32, #tpu.memory_space<hbm>>
    %dma_wait3A_174 = arith.constant 0 : i32
    %dma_wait3A_175 = arith.constant 0 : i32
    %dma_wait3A_176 = tpu.memref_slice %arg7[%dma_wait3A_174, %dma_wait3A_175] : memref<128x128xf32, #tpu.memory_space<vmem>> -> memref<16x128xf32, #tpu.memory_space<vmem>>
    tpu.wait_dma2 semaphore(%arg15 : memref<!tpu.dma_semaphore, #tpu.memory_space<semaphore_mem>>) src(%dma_wait3A_176 : memref<16x128xf32, #tpu.memory_space<vmem>>) dst(%dma_wait3A_173 : memref<16x128xf32, #tpu.memory_space<hbm>>)
    %dma_wait3A_177 = arith.constant 0 : i32
    %dma_wait3A_178 = arith.constant 16 : i32
    %dma_wait3A_179 = arith.constant 0 : i32
    %dma_wait3A_180 = tpu.memref_slice %arg7[%dma_wait3A_178, %dma_wait3A_179] : memref<128x128xf32, #tpu.memory_space<vmem>> -> memref<32x128xf32, #tpu.memory_space<vmem>>
    %dma_wait3A_181 = arith.constant 0 : i32
    %dma_wait3A_182 = tpu.memref_slice %arg5[%dma_wait3A_177, %add3A_127, %dma_wait3A_181] : memref<1x2048x128xf32, #tpu.memory_space<hbm>> -> memref<1x32x128xf32, #tpu.memory_space<hbm>>
    %dma_wait3A_183 = tpu.memref_squeeze %dma_wait3A_182 : memref<1x32x128xf32, #tpu.memory_space<hbm>> -> memref<32x128xf32, #tpu.memory_space<hbm>>
    %dma_wait3A_184 = arith.constant 0 : i32
    %dma_wait3A_185 = tpu.memref_slice %arg5[%dma_wait3A_177, %add3A_127, %dma_wait3A_184] : memref<1x2048x128xf32, #tpu.memory_space<hbm>> -> memref<1x32x128xf32, #tpu.memory_space<hbm>>
    %dma_wait3A_186 = tpu.memref_squeeze %dma_wait3A_185 : memref<1x32x128xf32, #tpu.memory_space<hbm>> -> memref<32x128xf32, #tpu.memory_space<hbm>>
    %dma_wait3A_187 = arith.constant 16 : i32
    %dma_wait3A_188 = arith.constant 0 : i32
    %dma_wait3A_189 = tpu.memref_slice %arg7[%dma_wait3A_187, %dma_wait3A_188] : memref<128x128xf32, #tpu.memory_space<vmem>> -> memref<32x128xf32, #tpu.memory_space<vmem>>
    tpu.wait_dma2 semaphore(%arg16 : memref<!tpu.dma_semaphore, #tpu.memory_space<semaphore_mem>>) src(%dma_wait3A_189 : memref<32x128xf32, #tpu.memory_space<vmem>>) dst(%dma_wait3A_186 : memref<32x128xf32, #tpu.memory_space<hbm>>)
    %dma_wait3A_190 = arith.constant 0 : i32
    %dma_wait3A_191 = arith.constant 48 : i32
    %dma_wait3A_192 = arith.constant 0 : i32
    %dma_wait3A_193 = tpu.memref_slice %arg7[%dma_wait3A_191, %dma_wait3A_192] : memref<128x128xf32, #tpu.memory_space<vmem>> -> memref<80x128xf32, #tpu.memory_space<vmem>>
    %dma_wait3A_194 = arith.constant 0 : i32
    %dma_wait3A_195 = tpu.memref_slice %arg5[%dma_wait3A_190, %add3A_150, %dma_wait3A_194] : memref<1x2048x128xf32, #tpu.memory_space<hbm>> -> memref<1x80x128xf32, #tpu.memory_space<hbm>>
    %dma_wait3A_196 = tpu.memref_squeeze %dma_wait3A_195 : memref<1x80x128xf32, #tpu.memory_space<hbm>> -> memref<80x128xf32, #tpu.memory_space<hbm>>
    %dma_wait3A_197 = arith.constant 0 : i32
    %dma_wait3A_198 = tpu.memref_slice %arg5[%dma_wait3A_190, %add3A_150, %dma_wait3A_197] : memref<1x2048x128xf32, #tpu.memory_space<hbm>> -> memref<1x80x128xf32, #tpu.memory_space<hbm>>
    %dma_wait3A_199 = tpu.memref_squeeze %dma_wait3A_198 : memref<1x80x128xf32, #tpu.memory_space<hbm>> -> memref<80x128xf32, #tpu.memory_space<hbm>>
    %dma_wait3A_200 = arith.constant 48 : i32
    %dma_wait3A_201 = arith.constant 0 : i32
    %dma_wait3A_202 = tpu.memref_slice %arg7[%dma_wait3A_200, %dma_wait3A_201] : memref<128x128xf32, #tpu.memory_space<vmem>> -> memref<80x128xf32, #tpu.memory_space<vmem>>
    tpu.wait_dma2 semaphore(%arg17 : memref<!tpu.dma_semaphore, #tpu.memory_space<semaphore_mem>>) src(%dma_wait3A_202 : memref<80x128xf32, #tpu.memory_space<vmem>>) dst(%dma_wait3A_199 : memref<80x128xf32, #tpu.memory_space<hbm>>)
    return
  }
}

</mosaic_0001>

<sc_bundles>
// kernel: kernel.3.cloned.1.call-start
scs
__scs_entry_jumppad:
0x0: {  	(pc) =	sbr.rel $0x88, $3  }
0x1: {  	(tag) =	ssettag $0x0;
	lr =	simm.s32 $0x1  }
0x2: {  	[smem:$0x3F9F] =	sst lr;
	_ =	strace $0xD0000000  }
0x3: {  	_ = 	snop  }
0x4: {  	_ = 	snop  }
0x5: {  	_ = 	snop  }
0x6: {  	_ = 	snop  }
0x7: {  	_ = 	snop  }
__scs_overlays_trampoline_lowered:
0x8: {  	[smem:$0x3FAE] =	sst s0  }
0x9: {  	[smem:$0x3FAF] =	sst s1  }
0xa: {  	[smem:$0x3FB0] =	sst s2  }
0xb: {  	[smem:$0x3FB1] =	sst s3  }
0xc: {  	[smem:$0x3FB2] =	sst s4  }
0xd: {  	[smem:$0x3FB3] =	sst s5  }
0xe: {  	[smem:$0x3FB4] =	sst s6  }
0xf: {  	[smem:$0x3FB5] =	sst s7  }
0x10: {  	[smem:$0x3FB6] =	sst s8  }
0x11: {  	[smem:$0x3FB7] =	sst s9;
	s0 =	simm.s32 @!p0 $0x0  }
0x12: {  	s1 =	sld [smem:$0x3F9D];
	s0 =	simm.s32 @p0 $0x1  }
0x13: {  	[smem:$0x3FB8] =	sst s0;
	s0 =	simm.s32 @!p1 $0x0  }
0x14: {  	s2 =	sld [smem:$0x3F9C];
	s0 =	simm.s32 @p1 $0x1  }
0x15: {  	[smem:$0x3FB9] =	sst s0;
	s0 =	simm.s32 @!p2 $0x0  }
0x16: {  	s3 =	sld [smem:$0x3FDB];
	s0 =	simm.s32 @p2 $0x1  }
0x17: {  	s4 =	simm.s32 $0x1BF5;
	[smem:$0x3FBB] =	sst s0  }
0x18: {  	s0 =	sld [smem:$0x3F9E];
	_ =	swait.ge [sflag:s4], $0x0  }
0x19: {  	s7 =	sld [smem:$0x3F9F]  }
0x1a: {  	s8 =	sadd.s32 $0xFFFFE003, lr  }
0x1b: {  	s9 =	sadd.s32 $0xFFFFFEF7, lr;
	s5 =	simm.s32 $0xFFFFFFFF;
	p2 =	slt.u32 s8, $0xFFFFF086  }
0x1c: {  	p1 =	slt.u32 s9, $0xF7A;
	s5 =	simm.s32 @!p2 $0x0  }
0x1d: {  	s5 =	simm.s32 @p1 $0x1;
	p0 =	seq.s32 s7, s2  }
0x1e: {  	s7 =	smul.u32 @!p0 $0xF7A, s2;
	p2 =	seq.s32 @!p0 s5, $0x0  }
0x1f: {  	s9 =	smul.u32 $0xF7A, s1;
	s8 =	simm.s32 @!p0 $0x1BF5;
	p2 =	por !p2, p0  }
0x20: {  	[sflag:s8] =	ssyncset.s32 @!p0 $0xFFFFF086;
	s6 =	sadd.s32 @!p0 s3, s7;
	s7 =	simm.s32 @!p0 $0x108  }
0x21: {  	s3 =	sadd.s32 s3, s9;
	s6 =	sadd.s32 @!p0 $0x88, s6;
	s7 =	simm.s32 @p2 $0x1082  }
0x22: {  	[simem:s7], [sflag:s8] =	dma.local @!p0 [hbm:s6], $0xF7A  }
0x23: {  	s9 =	sor.u32 $0xD0000000, s2;
	s6 =	simm.s32 $0x108;
	_ =	swait.ge @!p0 [sflag:s8], $0x0  }
0x24: {  	s3 =	sadd.s32 $0x88, s3;
	s6 =	simm.s32 @!p1 $0x1082;
	[sflag:s4] =	ssyncset.s32 $0xFFFFF086  }
0x25: {  	[simem:s6], [sflag:s4] =	dma.local [hbm:s3], $0xF7A  }
0x26: {  	[smem:$0x3F9F] =	sst s1;
	(tag) =	ssettag s2;
	_ =	strace s9  }
0x27: {  	s1 =	sld [smem:$0x3FAF]  }
0x28: {  	s2 =	sld [smem:$0x3FB0]  }
0x29: {  	s4 =	sld [smem:$0x3FB2]  }
0x2a: {  	p0 =	seq.s32 s5, $0x0;
	s5 =	sld [smem:$0x3FB3]  }
0x2b: {  	s6 =	sld [smem:$0x3FB4]  }
0x2c: {  	s7 =	sld [smem:$0x3FB5]  }
0x2d: {  	s3 =	simm.s32 $0x108;
	s8 =	sld [smem:$0x3FB6]  }
0x2e: {  	s3 =	simm.s32 @!p0 $0x1082;
	s9 =	sld [smem:$0x3FB7]  }
0x2f: {  	lr =	sadd.s32 s0, s3;
	s0 =	sld [smem:$0x3FAE]  }
0x30: {  	s3 =	sld [smem:$0x3FB1]  }
0x31: {  	[smem:$0x3FBA] =	sst s10  }
0x32: {  	s10 =	sld [smem:$0x3FB8];
	_ =	sdelay $0x3  }
0x33: {  	p0 =	seq.s32 s10, $0x1;
	s10 =	sld [smem:$0x3FBA];
	_ =	sdelay $0x3  }
0x34: {  	[smem:$0x3FBA] =	sst s10  }
0x35: {  	s10 =	sld [smem:$0x3FB9];
	_ =	sdelay $0x3  }
0x36: {  	p1 =	seq.s32 s10, $0x1;
	s10 =	sld [smem:$0x3FBA];
	_ =	sdelay $0x3  }
0x37: {  	[smem:$0x3FBA] =	sst s10  }
0x38: {  	s10 =	sld [smem:$0x3FBB]  }
0x39: {  	_ = 	snop;
	(pc) =	sbr.ind lr, $3  }
0x3a: {  	_ = 	snop  }
0x3b: {  	_ = 	snop  }
0x3c: {  	p2 =	seq.s32 s10, $0x1;
	s10 =	sld [smem:$0x3FBA]  }
0x3d: {  	_ =	shalt  }
0x3e: {  	_ =	shalt  }
0x3f: {  	_ =	shalt  }
0x40: {  	_ =	shalt  }
0x41: {  	_ =	shalt  }
0x42: {  	_ =	shalt  }
0x43: {  	_ =	shalt  }
0x44: {  	_ =	shalt  }
0x45: {  	_ =	shalt  }
0x46: {  	_ =	shalt  }
0x47: {  	_ =	shalt  }
0x48: {  	_ =	shalt  }
0x49: {  	_ =	shalt  }
0x4a: {  	_ =	shalt  }
0x4b: {  	_ =	shalt  }
0x4c: {  	_ =	shalt  }
0x4d: {  	_ =	shalt  }
0x4e: {  	_ =	shalt  }
0x4f: {  	_ =	shalt  }
0x50: {  	_ =	shalt  }
0x51: {  	_ =	shalt  }
0x52: {  	_ =	shalt  }
0x53: {  	_ =	shalt  }
0x54: {  	_ =	shalt  }
0x55: {  	_ =	shalt  }
0x56: {  	_ =	shalt  }
0x57: {  	_ =	shalt  }
0x58: {  	_ =	shalt  }
0x59: {  	_ =	shalt  }
0x5a: {  	_ =	shalt  }
0x5b: {  	_ =	shalt  }
0x5c: {  	_ =	shalt  }
0x5d: {  	_ =	shalt  }
0x5e: {  	_ =	shalt  }
0x5f: {  	_ =	shalt  }
0x60: {  	_ =	shalt  }
0x61: {  	_ =	shalt  }
0x62: {  	_ =	shalt  }
0x63: {  	_ =	shalt  }
0x64: {  	_ =	shalt  }
0x65: {  	_ =	shalt  }
0x66: {  	_ =	shalt  }
0x67: {  	_ =	shalt  }
0x68: {  	_ =	shalt  }
0x69: {  	_ =	shalt  }
0x6a: {  	_ =	shalt  }
0x6b: {  	_ =	shalt  }
0x6c: {  	_ =	shalt  }
0x6d: {  	_ =	shalt  }
0x6e: {  	_ =	shalt  }
0x6f: {  	_ =	shalt  }
0x70: {  	_ =	shalt  }
0x71: {  	_ =	shalt  }
0x72: {  	_ =	shalt  }
0x73: {  	_ =	shalt  }
0x74: {  	_ =	shalt  }
0x75: {  	_ =	shalt  }
0x76: {  	_ =	shalt  }
0x77: {  	_ =	shalt  }
0x78: {  	_ =	shalt  }
0x79: {  	_ =	shalt  }
0x7a: {  	_ =	shalt  }
0x7b: {  	_ =	shalt  }
0x7c: {  	_ =	shalt  }
0x7d: {  	_ =	shalt  }
0x7e: {  	_ =	shalt  }
0x7f: {  	_ =	shalt  }
0x80: {  	_ =	shalt  }
0x81: {  	_ =	shalt  }
0x82: {  	_ =	shalt  }
0x83: {  	_ =	shalt  }
0x84: {  	_ =	shalt  }
0x85: {  	_ =	shalt  }
0x86: {  	_ =	shalt  }
0x87: {  	_ =	shalt  }
.Lfunc_end0:
.L_simem_size_0:
called_computation_lowered:
.L_overlay_start_0:
0x88: {  	s0 =	sld [smem:$0x3FD9]  }
0x89: {  	s1 =	sld [smem:$0x3FFE];
	_ =	sdelay $0x3  }
0x8a: {  	s0 =	sadd.s32 s1, s0  }
0x8b: {  	[smem:$0x3FC6] =	sst s0  }
0x8c: {  	_ = 	snop  }
0x8d: {  	s0 =	sld [smem:$0x3FC9]  }
0x8e: {  	s16 =	sld [smem:$0x3FC8]  }
0x8f: {  	s2 =	sld [smem:$0x3FD0];
	(tm) =	ssettm $0x1  }
0x90: {  	s3 =	sld [smem:$0x3FFB];
	_ =	sdelay $0x3  }
0x91: {  	_ =	strace s3  }
0x92: {  	s3 =	sld [smem:$0x3FFC];
	_ =	sdelay $0x3  }
0x93: {  	_ =	strace s3  }
0x94: {  	s3 =	sld [smem:$0x3FFD];
	_ =	sdelay $0x3  }
0x95: {  	_ =	strace s3  }
0x96: {  	_ =	strace $0x8FFFFFFF  }
0x97: {  	s17 =	sld [smem:$0x3FDB];
	_ =	sdelay $0x1  }
0x98: {  	s4 =	simm.s32 $_scs_section_size  }
0x99: {  	s5 =	simm.s32 $_size__tile_overlayer_lowered;
	s6 =	simm.s32 $_tile_overlayer_lowered  }
0x9a: {  	s20 =	simm.s32 $0x1BFF;
	s19 =	sshll.u32 s6, $0x1;
	s3 =	sadd.s32 s4, s17  }
0x9b: {  	s7 =	simm.s32 $0x0;
	s18 =	sshll.u32 s5, $0x1;
	s5 =	sadd.s32 s19, s3  }
0x9c: {  	[timem:s7], [sflag:s20] =	dma.local [hbm:s5], s18  }
0x9d: {  	_ =	swait.ge [sflag:s20], s18  }
0x9e: {  	s4 =	ssub.s32 $0x0, s18;
	[sflag:s20] =	ssyncset.done $0x0  }
0x9f: {  	[sflag:s20] =	ssyncadd.s32 s4;
	_ =	sdelay $0x1  }
0xa0: {  	s21 =	simm.s32 $0x1B8B  }
0xa1: {  	_ =	swait.ge [sflag:s21], $0x1  }
0xa2: {  	[sflag:s21] =	ssyncset.done $0x0  }
0xa3: {  	s23 =	simm.s32 $0x1B8E;
	s22 =	sld [smem:$0x3FFE];
	[sflag:s21] =	ssyncadd.s32 $0xFFFFFFFF  }
0xa4: {  	s24 =	simm.s32 $execute0_lowered;
	[smem:$0x3FD2] =	sst s23  }
0xa5: {  	s5 =	sshll.u32 s24, $0x1;
	_ =	strace $0x80000046;
	[dreg:$0x1] =	wrdreg $0xFFFFFFFF  }
0xa6: {  	s25 =	simm.s32 $_size_execute0_lowered;
	s3 =	sadd.s32 s3, s5;
	[dreg:$0x0] =	wrdreg $0x0  }
0xa7: {  	s5 =	sshll.u32 s25, $0x1;
	[dreg:$0x2] =	wrdreg s3  }
0xa8: {  	[dreg:$0x3] =	wrdreg s5  }
0xa9: {  	[dreg:$0x4] =	wrdreg $0xC0  }
0xaa: {  	_ =	task [dreg:s7], $0x5FFFF  }
0xab: {  	[dreg:$0x1] =	wrdreg $0xFFFFFFFF  }
0xac: {  	[dreg:$0x0] =	wrdreg $0x60  }
0xad: {  	[dreg:$0x2] =	wrdreg s0  }
0xae: {  	[dreg:$0x3] =	wrdreg s16  }
0xaf: {  	[dreg:$0x4] =	wrdreg s22  }
0xb0: {  	[dreg:$0x5] =	wrdreg s2  }
0xb1: {  	[dreg:$0x6] =	wrdreg $0x9  }
0xb2: {  	_ =	task.clear_ibuf [dreg:s7], $0x7FFFF;
	_ =	strace $0x90000046  }
0xb3: {  	s26 =	simm.s32 $0x9;
	_ =	strace $0x80000048  }
0xb4: {  	_ =	swait.ge [sflag:s26], $0x1  }
0xb5: {  	[sflag:s26] =	ssyncadd.s32 $0xFFFFFFFF  }
0xb6: {  	_ =	strace $0x90000048  }
0xb7: {  	_ =	sfence  }
0xb8: {  	s28 =	sld [smem:$0x0];
	_ =	sdelay $0x1  }
0xb9: {  	s29 =	srdreg.scid  }
0xba: {  	s30 =	sshll.u32 s29, $0xD;
	s31 =	sshrl.u32 s29, $0x2  }
0xbb: {  	s1 =	sand.u32 $0x1, s29;
	s2 =	sand.u32 $0x4000, s30;
	s0 =	sadd.s32 s31, s28  }
0xbc: {  	s1 =	sor.u32 s2, s1;
	s0 =	sshll.u32 s0, $0x11  }
0xbd: {  	s0 =	sor.u32 s0, s1  }
0xbe: {  	s0 =	sadd.s32 $0x8F2B, s0  }
0xbf: {  	[sflag:s0] =	ssyncadd.remote.s32 $0x1  }
0xc0: {  	_ =	sfence.sel $0xFFFF  }
0xc1: {  	[dreg:$0x0] =	wrdreg $0xFFFFFFFF;
	(pc) =	sbr.abs _section_cstart, $3  }
0xc2: {  	[dreg:$0x1] =	wrdreg $0xFFFFFFFF  }
0xc3: {  	_ =	task.clear_ibuf [dreg:s7], $0x2FFFF;
	_ =	strace $0x9FFFFFFF  }
0xc4: {  	(tm) =	ssettm $0x7FFFFFFF  }
0xc5: {  	_ =	shalt  }
tec
execute0_lowered:
.L_overlay_start_1:
0x0: {  	(tag) =	ssettag $0x1  }
0x1: {  	s2 =	rddreg [dreg:$0x0]  }
0x2: {  	s3 =	rddreg [dreg:$0x1]  }
0x3: {  	s4 =	rddreg [dreg:$0x2]  }
0x4: {  	s5 =	rddreg [dreg:$0x3]  }
0x5: {  	s0 =	rddreg [dreg:$0x4];
	s6 =	simm.s32 $0x0;
	s1 =	stileid.u32  }
0x6: {  	[smem:$0x7FF] =	sst s6;
	s7 =	sshll.u32 s1, $0x4;
	s4 =	sadd.s32 $0x400, s4  }
0x7: {  	s31 =	sshll.u32 s1, $0xB;
	_ =	strace $0x80000047;
	s2 =	sadd.s32 s2, s7  }
0x8: {  	[tilespmem:s6], [sflag:$0x1] =	stream.linear.gather [hbm4b:s2+s6], $0x80, $0x38;
	[tilespmem:$0x4080] =	vst v63  }
0x9: {  	s9 =	simm.s32 $0x80;
	s11 =	sadd.s32 s4, s31;
	s8 =	sor.u32 $0x100, s31  }
0xa: {  	[tilespmem:s9], [sflag:$0x2] =	stream.linear.gather [hbm4b:s11+s6], $0x800, $0x38;
	[tilespmem:$0x4080] =	vst v63  }
0xb: {  	s10 =	sor.u32 $0x300, s31;
	s12 =	sadd.s32 s4, s8;
	s11 =	simm.s32 $0x880  }
0xc: {  	[tilespmem:s11], [sflag:$0x3] =	stream.linear.gather [hbm4b:s12+s6], $0x1000, $0x38;
	[tilespmem:$0x4080] =	vst v63  }
0xd: {  	s14 =	simm.s32 $0x1880;
	s15 =	simm.s32 $0x1;
	s13 =	sadd.s32 s4, s10  }
0xe: {  	[tilespmem:s14], [sflag:$0x4] =	stream.linear.gather [hbm4b:s13+s6], $0x2800, $0x38;
	[tilespmem:$0x4080] =	vst v63  }
0xf: {  	_ =	swait.ge [sflag:s15], $0x80  }
0x10: {  	[sflag:s15] =	ssyncset.done $0x0  }
0x11: {  	s16 =	simm.s32 $0x2;
	[sflag:s15] =	ssyncadd.s32 $0xFFFFFF80  }
0x12: {  	_ =	swait.ge [sflag:s16], $0x800  }
0x13: {  	[sflag:s16] =	ssyncset.done $0x0  }
0x14: {  	s17 =	simm.s32 $0x10;
	s12 =	simm.s32 $0x3;
	[sflag:s16] =	ssyncadd.s32 $0xFFFFF800  }
0x15: {  	[tilespmem:s9], [sflag:$0x5] =	stream.indirect.gather.add.f32 [hbm:s3], $0x80, s6, s17, $0xb8;
	[tilespmem:$0x4080] =	vst v63  }
0x16: {  	_ =	swait.ge [sflag:s12], $0x1000  }
0x17: {  	[sflag:s12] =	ssyncset.done $0x0  }
0x18: {  	s18 =	simm.s32 $0x20;
	s19 =	simm.s32 $0x4;
	[sflag:s12] =	ssyncadd.s32 $0xFFFFF000  }
0x19: {  	[tilespmem:s11], [sflag:$0x6] =	stream.indirect.gather.add.f32 [hbm:s3], $0x80, s17, s18, $0xb8;
	[tilespmem:$0x4080] =	vst v63  }
0x1a: {  	_ =	swait.ge [sflag:s19], $0x2800  }
0x1b: {  	s20 =	simm.s32 $0x50;
	[sflag:s19] =	ssyncset.done $0x0  }
0x1c: {  	s21 =	simm.s32 $0x30;
	s22 =	simm.s32 $0x5;
	[sflag:s19] =	ssyncadd.s32 $0xFFFFD800  }
0x1d: {  	[tilespmem:s14], [sflag:$0x7] =	stream.indirect.gather.add.f32 [hbm:s3], $0x80, s21, s20, $0xb8;
	[tilespmem:$0x4080] =	vst v63  }
0x1e: {  	_ =	swait.ge [sflag:s22], $0x800  }
0x1f: {  	[sflag:s22] =	ssyncset.done $0x0  }
0x20: {  	s24 =	simm.s32 $0x6;
	s23 =	sadd.s32 s5, s31;
	[sflag:s22] =	ssyncadd.s32 $0xFFFFF800  }
0x21: {  	[hbm4b:s23+s6] =	stream.linear.scatter [tilespmem:s9], [sflag:$0x8], $0x800, $0x38;
	[tilespmem:$0x4080] =	vst v63  }
0x22: {  	_ =	swait.ge [sflag:s24], $0x1000  }
0x23: {  	[sflag:s24] =	ssyncset.done $0x0  }
0x24: {  	s26 =	simm.s32 $0x7;
	s25 =	sadd.s32 s5, s8;
	[sflag:s24] =	ssyncadd.s32 $0xFFFFF000  }
0x25: {  	[hbm4b:s25+s6] =	stream.linear.scatter [tilespmem:s11], [sflag:$0x9], $0x1000, $0x38;
	[tilespmem:$0x4080] =	vst v63  }
0x26: {  	_ =	swait.ge [sflag:s26], $0x2800  }
0x27: {  	[sflag:s26] =	ssyncset.done $0x0  }
0x28: {  	s29 =	simm.s32 $0x8;
	s28 =	sadd.s32 s5, s10;
	[sflag:s26] =	ssyncadd.s32 $0xFFFFD800  }
0x29: {  	[hbm4b:s28+s6] =	stream.linear.scatter [tilespmem:s14], [sflag:$0xA], $0x2800, $0x38;
	[tilespmem:$0x4080] =	vst v63  }
0x2a: {  	_ =	swait.ge [sflag:s29], $0x800  }
0x2b: {  	[sflag:s29] =	ssyncset.done $0x0  }
0x2c: {  	s30 =	simm.s32 $0x9;
	[sflag:s29] =	ssyncadd.s32 $0xFFFFF800  }
0x2d: {  	_ =	swait.ge [sflag:s30], $0x1000  }
0x2e: {  	[sflag:s30] =	ssyncset.done $0x0  }
0x2f: {  	s31 =	simm.s32 $0xA;
	[sflag:s30] =	ssyncadd.s32 $0xFFFFF000  }
0x30: {  	_ =	swait.ge [sflag:s31], $0x2800  }
0x31: {  	[sflag:s31] =	ssyncset.done $0x0  }
0x32: {  	[sflag:s31] =	ssyncadd.s32 $0xFFFFD800  }
0x33: {  	_ =	sfence.sel $0x180000  }
0x34: {  	[bflag:$0x0] =	sbarrier.arrive $0xFFFF  }
0x35: {  	p0 =	sne.s32 s1, $0x0;
	_ =	strace $0x90000047  }
0x36: {  	s0 =	sadd.s32 @!p0 $0x100000, s0;
	[bflag:$0x2] =	sbarrier.arrive $0xFFFF  }
0x37: {  	[sflag:s0] =	ssyncadd.tile.s32 @!p0 $0x1;
	_ =	shalt  }
.Lfunc_end2:
_tile_overlayer_lowered:
.L_overlay_start_2:
0x38: {  	(tag) =	ssettag $0x2  }
0x39: {  	s0 =	rddreg [dreg:$0x0];
	s2 =	stileid.u32  }
0x3a: {  	s1 =	rddreg [dreg:$0x1];
	p0 =	sne.s32 s2, $0x0  }
0x3b: {  	s3 =	rddreg [dreg:$0x2];
	[bflag:$0x3] =	sbarrier.arrive $0xFFFF;
	s2 =	simm.s32 @!p0 $0x1C0B  }
0x3c: {  	[timem:s3], [sflag:s2] =	dma.local @!p0 [hbm:s0], s1  }
0x3d: {  	s0 =	simm.s32 @!p0 $0xB  }
0x3e: {  	_ =	swait.ge @!p0 [sflag:s0], s1  }
0x3f: {  	s1 =	ssub.s32 @!p0 $0x0, s1;
	[sflag:s0] =	ssyncset.done @!p0 $0x0  }
0x40: {  	[sflag:s0] =	ssyncadd.s32 @!p0 s1  }
0x41: {  	[bflag:$0x3] =	sbarrier.arrive $0xFFFF  }
0x42: {  	_ =	shalt  }

</sc_bundles>
